<compile_context>
chip_gen: v7x
topology: tpu7x:2x2x1
jax: 0.10.2.dev20260603
libtpu: 0.0.44.dev20260713+nightly
codegen_flags: <defaults>
</compile_context>

<pallas_src>
import functools

import jax
import jax.numpy as jnp
from jax import lax
from jax.experimental import pallas as pl
from jax.experimental.pallas import tpu as pltpu
from jax.experimental.pallas import tpu_sc as plsc

_S = 30.0


def _tc_body(logits_ref, target_ref, m_ref, out_ref, *, rows, n_classes):
    i = pl.program_id(0)

    x = logits_ref[...]
    t = target_ref[0, 0, :]
    m = m_ref[0, :]

    lane = lax.broadcasted_iota(jnp.int32, (rows, n_classes), 1)
    tmask = (lane == t[:, None]).astype(jnp.float32)

    ones_col = jnp.ones((n_classes, 1), jnp.float32)
    w2_col = 1.0 - jnp.exp(-_S * m).reshape(n_classes, 1)

    row_max = jnp.max(x, axis=1, keepdims=True)
    e = jnp.exp(x - row_max)

    l_t = jnp.dot(x * tmask, ones_col, preferred_element_type=jnp.float32)
    se_all = jnp.dot(e, ones_col, preferred_element_type=jnp.float32)
    corr = jnp.dot(e * tmask, w2_col, preferred_element_type=jnp.float32)

    lg = jnp.log(se_all - corr)
    partial = jnp.sum(row_max + lg - l_t, axis=(0, 1), keepdims=True)

    @pl.when(i == 0)
    def _():
        out_ref[...] = jnp.zeros_like(out_ref)

    out_ref[...] += partial


def _tc_pass(logits, m_list, target, rows):
    batch, n_classes = logits.shape
    grid = batch // rows
    target3 = target.reshape(grid, 1, rows)
    m2 = m_list.reshape(1, n_classes)
    body = functools.partial(_tc_body, rows=rows, n_classes=n_classes)
    return pl.pallas_call(
        body,
        grid=(grid,),
        in_specs=[
            pl.BlockSpec((rows, n_classes), lambda i: (i, 0)),
            pl.BlockSpec((1, 1, rows), lambda i: (i, 0, 0)),
            pl.BlockSpec((1, n_classes), lambda i: (0, 0)),
        ],
        out_specs=pl.BlockSpec((1, 1), lambda i: (0, 0)),
        out_shape=jax.ShapeDtypeStruct((1, 1), jnp.float32),
    )(logits, target3, m2)


def _sc_margin_partials(m_list, target):
    batch = target.shape[0]
    info = plsc.get_sparse_core_info()
    nc, ns, nl = info.num_cores, info.num_subcores, info.num_lanes
    nw = nc * ns
    bpw = batch // nw
    mesh = plsc.VectorSubcoreMesh(core_axis_name="c", subcore_axis_name="s")
    chunk = 128

    @functools.partial(
        pl.kernel,
        mesh=mesh,
        out_type=jax.ShapeDtypeStruct((nw, nl), jnp.float32),
        scratch_types=[
            pltpu.VMEM((bpw,), jnp.int32),
            pltpu.VMEM((bpw,), jnp.float32),
            pltpu.VMEM((nl,), jnp.float32),
            pltpu.SemaphoreType.DMA,
        ],
    )
    def k(m_hbm, tgt_hbm, out_hbm, tgt_v, vals_v, acc_v, sem):
        wid = lax.axis_index("s") * nc + lax.axis_index("c")
        base = wid * bpw
        pltpu.sync_copy(tgt_hbm.at[pl.ds(base, bpw)], tgt_v)
        for j in range(bpw // chunk):
            pltpu.async_copy(
                m_hbm.at[tgt_v.at[pl.ds(j * chunk, chunk)]],
                vals_v.at[pl.ds(j * chunk, chunk)],
                sem,
            ).wait()

        acc = jnp.zeros((nl,), jnp.float32)
        for j in range(bpw // nl):
            acc = acc + vals_v[pl.ds(j * nl, nl)]
        acc_v[...] = acc * _S
        pltpu.sync_copy(acc_v, out_hbm.at[wid])

    return k(m_list, target)


def kernel(logits, m_list, target):
    batch = logits.shape[0]
    sc_parts = _sc_margin_partials(m_list, target)
    tc_part = _tc_pass(logits, m_list, target, rows=4096)
    return (tc_part[0, 0] + jnp.sum(sc_parts)) * (1.0 / batch)

# --- scband reference (transcript-rebuilt; emitter-appended) ---
"""Pipeline reference for scband-ldamloss-3152505995585 (READ-ONLY COPY).

The authoritative reference and input builder live on the scoring server;
editing this copy changes nothing except your own understanding.
"""

import jax, jax.numpy as jnp
import numpy as np

BATCH = 16384
N_CLASSES = 100
MAX_M = 0.5
S = 30.0

def _make_m_list():
    cls_num_list = np.arange(1000, 0, -10).astype(np.float64)  # [1000, 990, ..., 10]
    m_list = 1.0 / np.sqrt(np.maximum(cls_num_list, 1))
    m_list = m_list * (MAX_M / m_list.max())
    return jnp.asarray(m_list, dtype=jnp.float32)

def setup_inputs(seed: int = 0) -> dict:
    key = jax.random.key(seed)
    k1, k2 = jax.random.split(key)
    logits = jax.random.normal(k1, (BATCH, N_CLASSES), dtype=jnp.float32)
    target = jax.random.randint(k2, (BATCH,), 0, N_CLASSES, dtype=jnp.int32)
    m_list = _make_m_list()
    return {"logits": logits, "m_list": m_list, "target": target}

def reference(logits, m_list, target):
    # margins gathered per-sample from buffer m_list (gather -> SparseCore friendly)
    margins = jnp.take(m_list, target, axis=0)                      # [B]
    one_hot = jax.nn.one_hot(target, logits.shape[1], dtype=logits.dtype)  # [B, C]
    logits_adj = logits - one_hot * margins[:, None] * S
    # cross entropy with mean reduction, no class weights
    logp = jax.nn.log_softmax(logits_adj, axis=-1)
    nll = -jnp.take_along_axis(logp, target[:, None].astype(jnp.int32), axis=1)[:, 0]
    return jnp.mean(nll)

if __name__ == "__main__":
    import jax
    _d = setup_inputs()
    print(jax.jit(kernel)(*tuple(_d.values())))

</pallas_src>

<mosaic_0001>
#map = affine_map<(d0, d1) -> (0)>
#map1 = affine_map<(d0, d1) -> (0, 0)>
module attributes {stable_mosaic.version = 14 : i64} {
  func.func @k(%arg0: i32, %arg1: i32, %arg2: memref<100xf32, #tpu.memory_space<hbm>>, %arg3: memref<16384xi32, #tpu.memory_space<hbm>>, %arg4: memref<32x16xf32, #tpu.memory_space<hbm>>, %arg5: memref<512xi32, #tpu.memory_space<vmem>>, %arg6: memref<512xf32, #tpu.memory_space<vmem>>, %arg7: memref<16xf32, #tpu.memory_space<vmem>>, %arg8: memref<!tpu.dma_semaphore, #tpu.memory_space<semaphore_mem>>) attributes {dimension_semantics = [#tpu.dimension_semantics<core_parallel>, #tpu.dimension_semantics<subcore_parallel>], iteration_bounds = array<i64: 2, 16>, scalar_prefetch = 0 : i64, scratch_operands = 4 : i64, tpu.core_type = #tpu.core_type<sc_vector_subcore>, window_params = [{transform_indices = #map}, {transform_indices = #map}, {transform_indices = #map1}]} {
    %mul3A = arith.constant 2 : i32
    %mul3A_0 = arith.muli %arg1, %mul3A : i32
    %add3A = arith.addi %mul3A_0, %arg0 : i32
    %mul3A_1 = arith.constant 512 : i32
    %mul3A_2 = arith.muli %add3A, %mul3A_1 : i32
    "tpu.region"() ({
      %run_scoped3A = tpu.sem_alloc : memref<!tpu.dma_semaphore, #tpu.memory_space<semaphore_mem>>
      %dma_start3A_183 = tpu.memref_slice %arg3[%mul3A_2] : memref<16384xi32, #tpu.memory_space<hbm>> -> memref<512xi32, #tpu.memory_space<hbm>>
      %dma_start3A_184 = tpu.memref_slice %arg3[%mul3A_2] : memref<16384xi32, #tpu.memory_space<hbm>> -> memref<512xi32, #tpu.memory_space<hbm>>
      tpu.enqueue_dma source(%dma_start3A_184 : memref<512xi32, #tpu.memory_space<hbm>>) target(%arg5 : memref<512xi32, #tpu.memory_space<vmem>>) target_semaphore(%run_scoped3A : memref<!tpu.dma_semaphore, #tpu.memory_space<semaphore_mem>>)
      %dma_wait3A_185 = tpu.memref_slice %arg3[%mul3A_2] : memref<16384xi32, #tpu.memory_space<hbm>> -> memref<512xi32, #tpu.memory_space<hbm>>
      %dma_wait3A_186 = tpu.memref_slice %arg3[%mul3A_2] : memref<16384xi32, #tpu.memory_space<hbm>> -> memref<512xi32, #tpu.memory_space<hbm>>
      tpu.wait_dma2 semaphore(%run_scoped3A : memref<!tpu.dma_semaphore, #tpu.memory_space<semaphore_mem>>) src(%dma_wait3A_186 : memref<512xi32, #tpu.memory_space<hbm>>) dst(%arg5 : memref<512xi32, #tpu.memory_space<vmem>>)
      tpu.yield
    }) : () -> ()
    %dma_start3A = arith.constant 0 : i32
    %dma_start3A_3 = tpu.memref_slice %arg6[%dma_start3A] : memref<512xf32, #tpu.memory_space<vmem>> -> memref<128xf32, #tpu.memory_space<vmem>>
    %dma_start3A_4 = arith.constant 0 : i32
    %dma_start3A_5 = tpu.memref_slice %arg5[%dma_start3A_4] : memref<512xi32, #tpu.memory_space<vmem>> -> memref<128xi32, #tpu.memory_space<vmem>>
    %dma_start3A_6 = arith.constant 0 : i32
    %dma_start3A_7 = tpu.memref_slice %arg2[%dma_start3A_6] : memref<100xf32, #tpu.memory_space<hbm>> -> memref<100xf32, #tpu.memory_space<hbm>>
    tpu.enqueue_indirect_dma source(%dma_start3A_7 : memref<100xf32, #tpu.memory_space<hbm>>) target(%dma_start3A_3 : memref<128xf32, #tpu.memory_space<vmem>>) offsets(%dma_start3A_5 : memref<128xi32, #tpu.memory_space<vmem>>) semaphore(%arg8 : memref<!tpu.dma_semaphore, #tpu.memory_space<semaphore_mem>>)
    %dma_wait3A = arith.constant 0 : i32
    %dma_wait3A_8 = tpu.memref_slice %arg6[%dma_wait3A] : memref<512xf32, #tpu.memory_space<vmem>> -> memref<128xf32, #tpu.memory_space<vmem>>
    %dma_wait3A_9 = arith.constant 0 : i32
    %dma_wait3A_10 = tpu.memref_slice %arg5[%dma_wait3A_9] : memref<512xi32, #tpu.memory_space<vmem>> -> memref<128xi32, #tpu.memory_space<vmem>>
    %dma_wait3A_11 = arith.constant 0 : i32
    %dma_wait3A_12 = tpu.memref_slice %arg2[%dma_wait3A_11] : memref<100xf32, #tpu.memory_space<hbm>> -> memref<100xf32, #tpu.memory_space<hbm>>
    tpu.wait_indirect_dma semaphore(%arg8 : memref<!tpu.dma_semaphore, #tpu.memory_space<semaphore_mem>>) src(%dma_wait3A_12 : memref<100xf32, #tpu.memory_space<hbm>>) dst(%dma_wait3A_8 : memref<128xf32, #tpu.memory_space<vmem>>)
    %dma_start3A_13 = arith.constant 128 : i32
    %dma_start3A_14 = tpu.memref_slice %arg6[%dma_start3A_13] : memref<512xf32, #tpu.memory_space<vmem>> -> memref<128xf32, #tpu.memory_space<vmem>>
    %dma_start3A_15 = arith.constant 128 : i32
    %dma_start3A_16 = tpu.memref_slice %arg5[%dma_start3A_15] : memref<512xi32, #tpu.memory_space<vmem>> -> memref<128xi32, #tpu.memory_space<vmem>>
    %dma_start3A_17 = arith.constant 0 : i32
    %dma_start3A_18 = tpu.memref_slice %arg2[%dma_start3A_17] : memref<100xf32, #tpu.memory_space<hbm>> -> memref<100xf32, #tpu.memory_space<hbm>>
    tpu.enqueue_indirect_dma source(%dma_start3A_18 : memref<100xf32, #tpu.memory_space<hbm>>) target(%dma_start3A_14 : memref<128xf32, #tpu.memory_space<vmem>>) offsets(%dma_start3A_16 : memref<128xi32, #tpu.memory_space<vmem>>) semaphore(%arg8 : memref<!tpu.dma_semaphore, #tpu.memory_space<semaphore_mem>>)
    %dma_wait3A_19 = arith.constant 128 : i32
    %dma_wait3A_20 = tpu.memref_slice %arg6[%dma_wait3A_19] : memref<512xf32, #tpu.memory_space<vmem>> -> memref<128xf32, #tpu.memory_space<vmem>>
    %dma_wait3A_21 = arith.constant 128 : i32
    %dma_wait3A_22 = tpu.memref_slice %arg5[%dma_wait3A_21] : memref<512xi32, #tpu.memory_space<vmem>> -> memref<128xi32, #tpu.memory_space<vmem>>
    %dma_wait3A_23 = arith.constant 0 : i32
    %dma_wait3A_24 = tpu.memref_slice %arg2[%dma_wait3A_23] : memref<100xf32, #tpu.memory_space<hbm>> -> memref<100xf32, #tpu.memory_space<hbm>>
    tpu.wait_indirect_dma semaphore(%arg8 : memref<!tpu.dma_semaphore, #tpu.memory_space<semaphore_mem>>) src(%dma_wait3A_24 : memref<100xf32, #tpu.memory_space<hbm>>) dst(%dma_wait3A_20 : memref<128xf32, #tpu.memory_space<vmem>>)
    %dma_start3A_25 = arith.constant 256 : i32
    %dma_start3A_26 = tpu.memref_slice %arg6[%dma_start3A_25] : memref<512xf32, #tpu.memory_space<vmem>> -> memref<128xf32, #tpu.memory_space<vmem>>
    %dma_start3A_27 = arith.constant 256 : i32
    %dma_start3A_28 = tpu.memref_slice %arg5[%dma_start3A_27] : memref<512xi32, #tpu.memory_space<vmem>> -> memref<128xi32, #tpu.memory_space<vmem>>
    %dma_start3A_29 = arith.constant 0 : i32
    %dma_start3A_30 = tpu.memref_slice %arg2[%dma_start3A_29] : memref<100xf32, #tpu.memory_space<hbm>> -> memref<100xf32, #tpu.memory_space<hbm>>
    tpu.enqueue_indirect_dma source(%dma_start3A_30 : memref<100xf32, #tpu.memory_space<hbm>>) target(%dma_start3A_26 : memref<128xf32, #tpu.memory_space<vmem>>) offsets(%dma_start3A_28 : memref<128xi32, #tpu.memory_space<vmem>>) semaphore(%arg8 : memref<!tpu.dma_semaphore, #tpu.memory_space<semaphore_mem>>)
    %dma_wait3A_31 = arith.constant 256 : i32
    %dma_wait3A_32 = tpu.memref_slice %arg6[%dma_wait3A_31] : memref<512xf32, #tpu.memory_space<vmem>> -> memref<128xf32, #tpu.memory_space<vmem>>
    %dma_wait3A_33 = arith.constant 256 : i32
    %dma_wait3A_34 = tpu.memref_slice %arg5[%dma_wait3A_33] : memref<512xi32, #tpu.memory_space<vmem>> -> memref<128xi32, #tpu.memory_space<vmem>>
    %dma_wait3A_35 = arith.constant 0 : i32
    %dma_wait3A_36 = tpu.memref_slice %arg2[%dma_wait3A_35] : memref<100xf32, #tpu.memory_space<hbm>> -> memref<100xf32, #tpu.memory_space<hbm>>
    tpu.wait_indirect_dma semaphore(%arg8 : memref<!tpu.dma_semaphore, #tpu.memory_space<semaphore_mem>>) src(%dma_wait3A_36 : memref<100xf32, #tpu.memory_space<hbm>>) dst(%dma_wait3A_32 : memref<128xf32, #tpu.memory_space<vmem>>)
    %dma_start3A_37 = arith.constant 384 : i32
    %dma_start3A_38 = tpu.memref_slice %arg6[%dma_start3A_37] : memref<512xf32, #tpu.memory_space<vmem>> -> memref<128xf32, #tpu.memory_space<vmem>>
    %dma_start3A_39 = arith.constant 384 : i32
    %dma_start3A_40 = tpu.memref_slice %arg5[%dma_start3A_39] : memref<512xi32, #tpu.memory_space<vmem>> -> memref<128xi32, #tpu.memory_space<vmem>>
    %dma_start3A_41 = arith.constant 0 : i32
    %dma_start3A_42 = tpu.memref_slice %arg2[%dma_start3A_41] : memref<100xf32, #tpu.memory_space<hbm>> -> memref<100xf32, #tpu.memory_space<hbm>>
    tpu.enqueue_indirect_dma source(%dma_start3A_42 : memref<100xf32, #tpu.memory_space<hbm>>) target(%dma_start3A_38 : memref<128xf32, #tpu.memory_space<vmem>>) offsets(%dma_start3A_40 : memref<128xi32, #tpu.memory_space<vmem>>) semaphore(%arg8 : memref<!tpu.dma_semaphore, #tpu.memory_space<semaphore_mem>>)
    %dma_wait3A_43 = arith.constant 384 : i32
    %dma_wait3A_44 = tpu.memref_slice %arg6[%dma_wait3A_43] : memref<512xf32, #tpu.memory_space<vmem>> -> memref<128xf32, #tpu.memory_space<vmem>>
    %dma_wait3A_45 = arith.constant 384 : i32
    %dma_wait3A_46 = tpu.memref_slice %arg5[%dma_wait3A_45] : memref<512xi32, #tpu.memory_space<vmem>> -> memref<128xi32, #tpu.memory_space<vmem>>
    %dma_wait3A_47 = arith.constant 0 : i32
    %dma_wait3A_48 = tpu.memref_slice %arg2[%dma_wait3A_47] : memref<100xf32, #tpu.memory_space<hbm>> -> memref<100xf32, #tpu.memory_space<hbm>>
    tpu.wait_indirect_dma semaphore(%arg8 : memref<!tpu.dma_semaphore, #tpu.memory_space<semaphore_mem>>) src(%dma_wait3A_48 : memref<100xf32, #tpu.memory_space<hbm>>) dst(%dma_wait3A_44 : memref<128xf32, #tpu.memory_space<vmem>>)
    %broadcast_in_dim3A = arith.constant 0.000000e+00 : f32
    %broadcast_in_dim3A_49 = vector.broadcast %broadcast_in_dim3A : f32 to vector<16xf32>
    %get3A = arith.constant 0 : index
    %get3A_50 = tpu.vector_load %arg6[%get3A] {strides = array<i32>} : memref<512xf32, #tpu.memory_space<vmem>>, vector<16xf32>,
    %get3A_51 = vector.shape_cast %get3A_50 : vector<16xf32> to vector<16xf32>
    %add3A_52 = arith.addf %broadcast_in_dim3A_49, %get3A_51 : vector<16xf32>
    %get3A_53 = arith.constant 16 : index
    %get3A_54 = tpu.vector_load %arg6[%get3A_53] {strides = array<i32>} : memref<512xf32, #tpu.memory_space<vmem>>, vector<16xf32>,
    %get3A_55 = vector.shape_cast %get3A_54 : vector<16xf32> to vector<16xf32>
    %add3A_56 = arith.addf %add3A_52, %get3A_55 : vector<16xf32>
    %get3A_57 = arith.constant 32 : index
    %get3A_58 = tpu.vector_load %arg6[%get3A_57] {strides = array<i32>} : memref<512xf32, #tpu.memory_space<vmem>>, vector<16xf32>,
    %get3A_59 = vector.shape_cast %get3A_58 : vector<16xf32> to vector<16xf32>
    %add3A_60 = arith.addf %add3A_56, %get3A_59 : vector<16xf32>
    %get3A_61 = arith.constant 48 : index
    %get3A_62 = tpu.vector_load %arg6[%get3A_61] {strides = array<i32>} : memref<512xf32, #tpu.memory_space<vmem>>, vector<16xf32>,
    %get3A_63 = vector.shape_cast %get3A_62 : vector<16xf32> to vector<16xf32>
    %add3A_64 = arith.addf %add3A_60, %get3A_63 : vector<16xf32>
    %get3A_65 = arith.constant 64 : index
    %get3A_66 = tpu.vector_load %arg6[%get3A_65] {strides = array<i32>} : memref<512xf32, #tpu.memory_space<vmem>>, vector<16xf32>,
    %get3A_67 = vector.shape_cast %get3A_66 : vector<16xf32> to vector<16xf32>
    %add3A_68 = arith.addf %add3A_64, %get3A_67 : vector<16xf32>
    %get3A_69 = arith.constant 80 : index
    %get3A_70 = tpu.vector_load %arg6[%get3A_69] {strides = array<i32>} : memref<512xf32, #tpu.memory_space<vmem>>, vector<16xf32>,
    %get3A_71 = vector.shape_cast %get3A_70 : vector<16xf32> to vector<16xf32>
    %add3A_72 = arith.addf %add3A_68, %get3A_71 : vector<16xf32>
    %get3A_73 = arith.constant 96 : index
    %get3A_74 = tpu.vector_load %arg6[%get3A_73] {strides = array<i32>} : memref<512xf32, #tpu.memory_space<vmem>>, vector<16xf32>,
    %get3A_75 = vector.shape_cast %get3A_74 : vector<16xf32> to vector<16xf32>
    %add3A_76 = arith.addf %add3A_72, %get3A_75 : vector<16xf32>
    %get3A_77 = arith.constant 112 : index
    %get3A_78 = tpu.vector_load %arg6[%get3A_77] {strides = array<i32>} : memref<512xf32, #tpu.memory_space<vmem>>, vector<16xf32>,
    %get3A_79 = vector.shape_cast %get3A_78 : vector<16xf32> to vector<16xf32>
    %add3A_80 = arith.addf %add3A_76, %get3A_79 : vector<16xf32>
    %get3A_81 = arith.constant 128 : index
    %get3A_82 = tpu.vector_load %arg6[%get3A_81] {strides = array<i32>} : memref<512xf32, #tpu.memory_space<vmem>>, vector<16xf32>,
    %get3A_83 = vector.shape_cast %get3A_82 : vector<16xf32> to vector<16xf32>
    %add3A_84 = arith.addf %add3A_80, %get3A_83 : vector<16xf32>
    %get3A_85 = arith.constant 144 : index
    %get3A_86 = tpu.vector_load %arg6[%get3A_85] {strides = array<i32>} : memref<512xf32, #tpu.memory_space<vmem>>, vector<16xf32>,
    %get3A_87 = vector.shape_cast %get3A_86 : vector<16xf32> to vector<16xf32>
    %add3A_88 = arith.addf %add3A_84, %get3A_87 : vector<16xf32>
    %get3A_89 = arith.constant 160 : index
    %get3A_90 = tpu.vector_load %arg6[%get3A_89] {strides = array<i32>} : memref<512xf32, #tpu.memory_space<vmem>>, vector<16xf32>,
    %get3A_91 = vector.shape_cast %get3A_90 : vector<16xf32> to vector<16xf32>
    %add3A_92 = arith.addf %add3A_88, %get3A_91 : vector<16xf32>
    %get3A_93 = arith.constant 176 : index
    %get3A_94 = tpu.vector_load %arg6[%get3A_93] {strides = array<i32>} : memref<512xf32, #tpu.memory_space<vmem>>, vector<16xf32>,
    %get3A_95 = vector.shape_cast %get3A_94 : vector<16xf32> to vector<16xf32>
    %add3A_96 = arith.addf %add3A_92, %get3A_95 : vector<16xf32>
    %get3A_97 = arith.constant 192 : index
    %get3A_98 = tpu.vector_load %arg6[%get3A_97] {strides = array<i32>} : memref<512xf32, #tpu.memory_space<vmem>>, vector<16xf32>,
    %get3A_99 = vector.shape_cast %get3A_98 : vector<16xf32> to vector<16xf32>
    %add3A_100 = arith.addf %add3A_96, %get3A_99 : vector<16xf32>
    %get3A_101 = arith.constant 208 : index
    %get3A_102 = tpu.vector_load %arg6[%get3A_101] {strides = array<i32>} : memref<512xf32, #tpu.memory_space<vmem>>, vector<16xf32>,
    %get3A_103 = vector.shape_cast %get3A_102 : vector<16xf32> to vector<16xf32>
    %add3A_104 = arith.addf %add3A_100, %get3A_103 : vector<16xf32>
    %get3A_105 = arith.constant 224 : index
    %get3A_106 = tpu.vector_load %arg6[%get3A_105] {strides = array<i32>} : memref<512xf32, #tpu.memory_space<vmem>>, vector<16xf32>,
    %get3A_107 = vector.shape_cast %get3A_106 : vector<16xf32> to vector<16xf32>
    %add3A_108 = arith.addf %add3A_104, %get3A_107 : vector<16xf32>
    %get3A_109 = arith.constant 240 : index
    %get3A_110 = tpu.vector_load %arg6[%get3A_109] {strides = array<i32>} : memref<512xf32, #tpu.memory_space<vmem>>, vector<16xf32>,
    %get3A_111 = vector.shape_cast %get3A_110 : vector<16xf32> to vector<16xf32>
    %add3A_112 = arith.addf %add3A_108, %get3A_111 : vector<16xf32>
    %get3A_113 = arith.constant 256 : index
    %get3A_114 = tpu.vector_load %arg6[%get3A_113] {strides = array<i32>} : memref<512xf32, #tpu.memory_space<vmem>>, vector<16xf32>,
    %get3A_115 = vector.shape_cast %get3A_114 : vector<16xf32> to vector<16xf32>
    %add3A_116 = arith.addf %add3A_112, %get3A_115 : vector<16xf32>
    %get3A_117 = arith.constant 272 : index
    %get3A_118 = tpu.vector_load %arg6[%get3A_117] {strides = array<i32>} : memref<512xf32, #tpu.memory_space<vmem>>, vector<16xf32>,
    %get3A_119 = vector.shape_cast %get3A_118 : vector<16xf32> to vector<16xf32>
    %add3A_120 = arith.addf %add3A_116, %get3A_119 : vector<16xf32>
    %get3A_121 = arith.constant 288 : index
    %get3A_122 = tpu.vector_load %arg6[%get3A_121] {strides = array<i32>} : memref<512xf32, #tpu.memory_space<vmem>>, vector<16xf32>,
    %get3A_123 = vector.shape_cast %get3A_122 : vector<16xf32> to vector<16xf32>
    %add3A_124 = arith.addf %add3A_120, %get3A_123 : vector<16xf32>
    %get3A_125 = arith.constant 304 : index
    %get3A_126 = tpu.vector_load %arg6[%get3A_125] {strides = array<i32>} : memref<512xf32, #tpu.memory_space<vmem>>, vector<16xf32>,
    %get3A_127 = vector.shape_cast %get3A_126 : vector<16xf32> to vector<16xf32>
    %add3A_128 = arith.addf %add3A_124, %get3A_127 : vector<16xf32>
    %get3A_129 = arith.constant 320 : index
    %get3A_130 = tpu.vector_load %arg6[%get3A_129] {strides = array<i32>} : memref<512xf32, #tpu.memory_space<vmem>>, vector<16xf32>,
    %get3A_131 = vector.shape_cast %get3A_130 : vector<16xf32> to vector<16xf32>
    %add3A_132 = arith.addf %add3A_128, %get3A_131 : vector<16xf32>
    %get3A_133 = arith.constant 336 : index
    %get3A_134 = tpu.vector_load %arg6[%get3A_133] {strides = array<i32>} : memref<512xf32, #tpu.memory_space<vmem>>, vector<16xf32>,
    %get3A_135 = vector.shape_cast %get3A_134 : vector<16xf32> to vector<16xf32>
    %add3A_136 = arith.addf %add3A_132, %get3A_135 : vector<16xf32>
    %get3A_137 = arith.constant 352 : index
    %get3A_138 = tpu.vector_load %arg6[%get3A_137] {strides = array<i32>} : memref<512xf32, #tpu.memory_space<vmem>>, vector<16xf32>,
    %get3A_139 = vector.shape_cast %get3A_138 : vector<16xf32> to vector<16xf32>
    %add3A_140 = arith.addf %add3A_136, %get3A_139 : vector<16xf32>
    %get3A_141 = arith.constant 368 : index
    %get3A_142 = tpu.vector_load %arg6[%get3A_141] {strides = array<i32>} : memref<512xf32, #tpu.memory_space<vmem>>, vector<16xf32>,
    %get3A_143 = vector.shape_cast %get3A_142 : vector<16xf32> to vector<16xf32>
    %add3A_144 = arith.addf %add3A_140, %get3A_143 : vector<16xf32>
    %get3A_145 = arith.constant 384 : index
    %get3A_146 = tpu.vector_load %arg6[%get3A_145] {strides = array<i32>} : memref<512xf32, #tpu.memory_space<vmem>>, vector<16xf32>,
    %get3A_147 = vector.shape_cast %get3A_146 : vector<16xf32> to vector<16xf32>
    %add3A_148 = arith.addf %add3A_144, %get3A_147 : vector<16xf32>
    %get3A_149 = arith.constant 400 : index
    %get3A_150 = tpu.vector_load %arg6[%get3A_149] {strides = array<i32>} : memref<512xf32, #tpu.memory_space<vmem>>, vector<16xf32>,
    %get3A_151 = vector.shape_cast %get3A_150 : vector<16xf32> to vector<16xf32>
    %add3A_152 = arith.addf %add3A_148, %get3A_151 : vector<16xf32>
    %get3A_153 = arith.constant 416 : index
    %get3A_154 = tpu.vector_load %arg6[%get3A_153] {strides = array<i32>} : memref<512xf32, #tpu.memory_space<vmem>>, vector<16xf32>,
    %get3A_155 = vector.shape_cast %get3A_154 : vector<16xf32> to vector<16xf32>
    %add3A_156 = arith.addf %add3A_152, %get3A_155 : vector<16xf32>
    %get3A_157 = arith.constant 432 : index
    %get3A_158 = tpu.vector_load %arg6[%get3A_157] {strides = array<i32>} : memref<512xf32, #tpu.memory_space<vmem>>, vector<16xf32>,
    %get3A_159 = vector.shape_cast %get3A_158 : vector<16xf32> to vector<16xf32>
    %add3A_160 = arith.addf %add3A_156, %get3A_159 : vector<16xf32>
    %get3A_161 = arith.constant 448 : index
    %get3A_162 = tpu.vector_load %arg6[%get3A_161] {strides = array<i32>} : memref<512xf32, #tpu.memory_space<vmem>>, vector<16xf32>,
    %get3A_163 = vector.shape_cast %get3A_162 : vector<16xf32> to vector<16xf32>
    %add3A_164 = arith.addf %add3A_160, %get3A_163 : vector<16xf32>
    %get3A_165 = arith.constant 464 : index
    %get3A_166 = tpu.vector_load %arg6[%get3A_165] {strides = array<i32>} : memref<512xf32, #tpu.memory_space<vmem>>, vector<16xf32>,
    %get3A_167 = vector.shape_cast %get3A_166 : vector<16xf32> to vector<16xf32>
    %add3A_168 = arith.addf %add3A_164, %get3A_167 : vector<16xf32>
    %get3A_169 = arith.constant 480 : index
    %get3A_170 = tpu.vector_load %arg6[%get3A_169] {strides = array<i32>} : memref<512xf32, #tpu.memory_space<vmem>>, vector<16xf32>,
    %get3A_171 = vector.shape_cast %get3A_170 : vector<16xf32> to vector<16xf32>
    %add3A_172 = arith.addf %add3A_168, %get3A_171 : vector<16xf32>
    %get3A_173 = arith.constant 496 : index
    %get3A_174 = tpu.vector_load %arg6[%get3A_173] {strides = array<i32>} : memref<512xf32, #tpu.memory_space<vmem>>, vector<16xf32>,
    %get3A_175 = vector.shape_cast %get3A_174 : vector<16xf32> to vector<16xf32>
    %add3A_176 = arith.addf %add3A_172, %get3A_175 : vector<16xf32>
    %mul3A_177 = arith.constant 3.000000e+01 : f32
    %mul3A_178 = vector.broadcast %mul3A_177 : f32 to vector<16xf32>
    %mul3A_179 = arith.mulf %add3A_176, %mul3A_178 : vector<16xf32>
    %swap3A = arith.constant 0 : index
    %swap3A_180 = tpu.vector_load %arg7[%swap3A] {strides = array<i32>} : memref<16xf32, #tpu.memory_space<vmem>>, vector<16xf32>,
    %swap3A_181 = vector.shape_cast %swap3A_180 : vector<16xf32> to vector<16xf32>
    %swap3A_182 = vector.shape_cast %mul3A_179 : vector<16xf32> to vector<16xf32>
    tpu.vector_store %arg7[%swap3A], %swap3A_182 {strides = array<i32>} : memref<16xf32, #tpu.memory_space<vmem>>, vector<16xf32>,
    "tpu.region"() ({
      %run_scoped3A = tpu.sem_alloc : memref<!tpu.dma_semaphore, #tpu.memory_space<semaphore_mem>>
      %dma_start3A_183 = arith.constant 0 : i32
      %dma_start3A_184 = tpu.memref_slice %arg4[%add3A, %dma_start3A_183] : memref<32x16xf32, #tpu.memory_space<hbm>> -> memref<1x16xf32, #tpu.memory_space<hbm>>
      %dma_start3A_185 = tpu.memref_squeeze %dma_start3A_184 : memref<1x16xf32, #tpu.memory_space<hbm>> -> memref<16xf32, #tpu.memory_space<hbm>>
      %dma_start3A_186 = arith.constant 0 : i32
      %dma_start3A_187 = tpu.memref_slice %arg4[%add3A, %dma_start3A_186] : memref<32x16xf32, #tpu.memory_space<hbm>> -> memref<1x16xf32, #tpu.memory_space<hbm>>
      %dma_start3A_188 = tpu.memref_squeeze %dma_start3A_187 : memref<1x16xf32, #tpu.memory_space<hbm>> -> memref<16xf32, #tpu.memory_space<hbm>>
      tpu.enqueue_dma source(%arg7 : memref<16xf32, #tpu.memory_space<vmem>>) target(%dma_start3A_188 : memref<16xf32, #tpu.memory_space<hbm>>) target_semaphore(%run_scoped3A : memref<!tpu.dma_semaphore, #tpu.memory_space<semaphore_mem>>)
      %dma_wait3A_189 = arith.constant 0 : i32
      %dma_wait3A_190 = tpu.memref_slice %arg4[%add3A, %dma_wait3A_189] : memref<32x16xf32, #tpu.memory_space<hbm>> -> memref<1x16xf32, #tpu.memory_space<hbm>>
      %dma_wait3A_191 = tpu.memref_squeeze %dma_wait3A_190 : memref<1x16xf32, #tpu.memory_space<hbm>> -> memref<16xf32, #tpu.memory_space<hbm>>
      %dma_wait3A_192 = arith.constant 0 : i32
      %dma_wait3A_193 = tpu.memref_slice %arg4[%add3A, %dma_wait3A_192] : memref<32x16xf32, #tpu.memory_space<hbm>> -> memref<1x16xf32, #tpu.memory_space<hbm>>
      %dma_wait3A_194 = tpu.memref_squeeze %dma_wait3A_193 : memref<1x16xf32, #tpu.memory_space<hbm>> -> memref<16xf32, #tpu.memory_space<hbm>>
      tpu.wait_dma2 semaphore(%run_scoped3A : memref<!tpu.dma_semaphore, #tpu.memory_space<semaphore_mem>>) src(%arg7 : memref<16xf32, #tpu.memory_space<vmem>>) dst(%dma_wait3A_194 : memref<16xf32, #tpu.memory_space<hbm>>)
      tpu.yield
    }) : () -> ()
    return
  }
}

module attributes {stable_mosaic.version = 14 : i64} {
  func.func @_tc_body(%arg0: i32, %arg1: memref<4096x100xf32, #tpu.memory_space<vmem>>, %arg2: memref<1x1x4096xi32, #tpu.memory_space<vmem>>, %arg3: memref<1x100xf32, #tpu.memory_space<vmem>>, %arg4: memref<1x1xf32, #tpu.memory_space<vmem>>) attributes {dimension_semantics = [#tpu.dimension_semantics<arbitrary>], iteration_bounds = array<i64: 4>, scalar_prefetch = 0 : i64, scratch_operands = 0 : i64, tpu.core_type = #tpu.core_type<tc>, window_params = [{transform_indices = @transform_0, window_bounds = array<i64: 4096, 100>}, {transform_indices = @transform_1, window_bounds = array<i64: 1, 1, 4096>}, {pipeline_mode = #tpu.pipeline_mode<synchronous>, transform_indices = @transform_2, window_bounds = array<i64: 1, 100>}, {pipeline_mode = #tpu.pipeline_mode<synchronous>, transform_indices = @transform_3, window_bounds = array<i64: 1, 1>}]} {
    %get3A = arith.constant 0 : index
    %get3A_0 = arith.constant 0 : index
    %get3A_1 = vector.load %arg1[%get3A, %get3A_0] : memref<4096x100xf32, #tpu.memory_space<vmem>>, vector<4096x100xf32>
    %get3A_2 = arith.constant 0 : index
    %get3A_3 = arith.constant 0 : index
    %get3A_4 = arith.constant 0 : index
    %get3A_5 = vector.load %arg2[%get3A_2, %get3A_3, %get3A_4] : memref<1x1x4096xi32, #tpu.memory_space<vmem>>, vector<1x1x4096xi32>
    %get3A_6 = vector.shape_cast %get3A_5 : vector<1x1x4096xi32> to vector<4096xi32>
    %get3A_7 = arith.constant 0 : index
    %get3A_8 = arith.constant 0 : index
    %get3A_9 = vector.load %arg3[%get3A_7, %get3A_8] : memref<1x100xf32, #tpu.memory_space<vmem>>, vector<1x100xf32>
    %get3A_10 = vector.shape_cast %get3A_9 : vector<1x100xf32> to vector<100xf32>
    %iota3A = tpu.iota {dimensions = array<i32: 1>} : vector<4096x100xi32>
    %broadcast_in_dim3A = vector.shape_cast %get3A_6 : vector<4096xi32> to vector<4096x1xi32>
    %eq3A = vector.broadcast %broadcast_in_dim3A : vector<4096x1xi32> to vector<4096x100xi32>
    %eq3A_11 = arith.cmpi eq, %iota3A, %eq3A : vector<4096x100xi32>
    %convert_element_type3A = arith.extui %eq3A_11 : vector<4096x100xi1> to vector<4096x100xi32>
    %convert_element_type3A_12 = arith.sitofp %convert_element_type3A : vector<4096x100xi32> to vector<4096x100xf32>
    %broadcast_in_dim3A_13 = arith.constant 1.000000e+00 : f32
    %broadcast_in_dim3A_14 = vector.broadcast %broadcast_in_dim3A_13 : f32 to vector<100x1xf32>
    %mul3A = arith.constant -3.000000e+01 : f32
    %mul3A_15 = vector.broadcast %mul3A : f32 to vector<100xf32>
    %mul3A_16 = arith.mulf %mul3A_15, %get3A_10 : vector<100xf32>
    %exp3A = math.exp %mul3A_16 : vector<100xf32>
    %reshape3A = vector.shape_cast %exp3A : vector<100xf32> to vector<100x1xf32>
    %sub3A = arith.constant 1.000000e+00 : f32
    %sub3A_17 = vector.broadcast %sub3A : f32 to vector<100x1xf32>
    %sub3A_18 = arith.subf %sub3A_17, %reshape3A : vector<100x1xf32>
    %reduce_max3A = arith.constant dense<0xFF800000> : vector<4096xf32>
    %reduce_max3A_19 = vector.multi_reduction <maximumf>, %get3A_1, %reduce_max3A [1] : vector<4096x100xf32> to vector<4096xf32>
    %broadcast_in_dim3A_20 = vector.shape_cast %reduce_max3A_19 : vector<4096xf32> to vector<4096x1xf32>
    %sub3A_21 = vector.broadcast %broadcast_in_dim3A_20 : vector<4096x1xf32> to vector<4096x100xf32>
    %sub3A_22 = arith.subf %get3A_1, %sub3A_21 : vector<4096x100xf32>
    %exp3A_23 = math.exp %sub3A_22 : vector<4096x100xf32>
    %mul3A_24 = arith.mulf %get3A_1, %convert_element_type3A_12 : vector<4096x100xf32>
    %dot_general3A = arith.constant dense<0.000000e+00> : vector<4096x1xf32>
    %dot_general3A_25 = tpu.matmul %mul3A_24, %broadcast_in_dim3A_14, %dot_general3A {dimension_numbers = #tpu.dot_dimension_numbers<[1], [0], [0], [1], [0, 0, 1, 1], [], []>, transpose_lhs_hint = false} : vector<4096x100xf32>, vector<100x1xf32>, vector<4096x1xf32> -> vector<4096x1xf32>
    %dot_general3A_26 = arith.constant dense<0.000000e+00> : vector<4096x1xf32>
    %dot_general3A_27 = tpu.matmul %exp3A_23, %broadcast_in_dim3A_14, %dot_general3A_26 {dimension_numbers = #tpu.dot_dimension_numbers<[1], [0], [0], [1], [0, 0, 1, 1], [], []>, transpose_lhs_hint = false} : vector<4096x100xf32>, vector<100x1xf32>, vector<4096x1xf32> -> vector<4096x1xf32>
    %mul3A_28 = arith.mulf %exp3A_23, %convert_element_type3A_12 : vector<4096x100xf32>
    %dot_general3A_29 = arith.constant dense<0.000000e+00> : vector<4096x1xf32>
    %dot_general3A_30 = tpu.matmul %mul3A_28, %sub3A_18, %dot_general3A_29 {dimension_numbers = #tpu.dot_dimension_numbers<[1], [0], [0], [1], [0, 0, 1, 1], [], []>, transpose_lhs_hint = false} : vector<4096x100xf32>, vector<100x1xf32>, vector<4096x1xf32> -> vector<4096x1xf32>
    %sub3A_31 = arith.subf %dot_general3A_27, %dot_general3A_30 : vector<4096x1xf32>
    %log3A = math.log %sub3A_31 : vector<4096x1xf32>
    %add3A = arith.addf %broadcast_in_dim3A_20, %log3A : vector<4096x1xf32>
    %sub3A_32 = arith.subf %add3A, %dot_general3A_25 : vector<4096x1xf32>
    %reduce_sum3A = vector.shape_cast %sub3A_32 : vector<4096x1xf32> to vector<1x4096x1xf32>
    %reduce_sum3A_33 = arith.constant dense<0.000000e+00> : vector<1xf32>
    %reduce_sum3A_34 = vector.multi_reduction <add>, %reduce_sum3A, %reduce_sum3A_33 [1, 2] : vector<1x4096x1xf32> to vector<1xf32>
    %reduce_sum3A_35 = vector.shape_cast %reduce_sum3A_34 : vector<1xf32> to vector<1x1x1xf32>
    %reduce_sum3A_36 = vector.extract %reduce_sum3A_35[0, 0, 0] : f32 from vector<1x1x1xf32>
    %broadcast_in_dim3A_37 = vector.broadcast %reduce_sum3A_36 : f32 to vector<1x1xf32>
    %eq3A_38 = arith.constant 0 : i32
    %eq3A_39 = arith.cmpi eq, %arg0, %eq3A_38 : i32
    %convert_element_type3A_40 = arith.extui %eq3A_39 : i1 to i32
    %cond3A = arith.constant 0 : i32
    %cond3A_41 = arith.cmpi ne, %convert_element_type3A_40, %cond3A : i32
    scf.if %cond3A_41 {
      %broadcast_in_dim3A_48 = arith.constant 0.000000e+00 : f32
      %broadcast_in_dim3A_49 = vector.broadcast %broadcast_in_dim3A_48 : f32 to vector<1x1xf32>
      %swap3A_50 = arith.constant 0 : index
      %swap3A_51 = arith.constant 0 : index
      %swap3A_52 = vector.load %arg4[%swap3A_50, %swap3A_51] : memref<1x1xf32, #tpu.memory_space<vmem>>, vector<1x1xf32>
      tpu.vector_store %arg4[%swap3A_50, %swap3A_51], %broadcast_in_dim3A_49 {strides = array<i32>} : memref<1x1xf32, #tpu.memory_space<vmem>>, vector<1x1xf32>,
    } else {
    }
    %get3A_42 = arith.constant 0 : index
    %get3A_43 = arith.constant 0 : index
    %get3A_44 = vector.load %arg4[%get3A_42, %get3A_43] : memref<1x1xf32, #tpu.memory_space<vmem>>, vector<1x1xf32>
    %add3A_45 = arith.addf %get3A_44, %broadcast_in_dim3A_37 : vector<1x1xf32>
    %swap3A = arith.constant 0 : index
    %swap3A_46 = arith.constant 0 : index
    %swap3A_47 = vector.load %arg4[%swap3A, %swap3A_46] : memref<1x1xf32, #tpu.memory_space<vmem>>, vector<1x1xf32>
    tpu.vector_store %arg4[%swap3A, %swap3A_46], %add3A_45 {strides = array<i32>} : memref<1x1xf32, #tpu.memory_space<vmem>>, vector<1x1xf32>,
    return
  }
  func.func @transform_0(%arg0: i32) -> (i32, i32) {
    %c0_i32 = arith.constant 0 : i32
    %c0_i32_0 = arith.constant 0 : i32
    return %arg0, %c0_i32 : i32, i32
  }
  func.func @transform_1(%arg0: i32) -> (i32, i32, i32) {
    %c0_i32 = arith.constant 0 : i32
    %c0_i32_0 = arith.constant 0 : i32
    %c0_i32_1 = arith.constant 0 : i32
    return %arg0, %c0_i32, %c0_i32_0 : i32, i32, i32
  }
  func.func @transform_2(%arg0: i32) -> (i32, i32) {
    %c0_i32 = arith.constant 0 : i32
    %c0_i32_0 = arith.constant 0 : i32
    %c0_i32_1 = arith.constant 0 : i32
    return %c0_i32, %c0_i32_0 : i32, i32
  }
  func.func @transform_3(%arg0: i32) -> (i32, i32) {
    %c0_i32 = arith.constant 0 : i32
    %c0_i32_0 = arith.constant 0 : i32
    %c0_i32_1 = arith.constant 0 : i32
    return %c0_i32, %c0_i32_0 : i32, i32
  }
}

</mosaic_0001>

<sc_bundles>
// kernel: kernel.4.cloned.1.call-start
scs
__scs_entry_jumppad:
0x0: {  	(pc) =	sbr.rel $0x88, $3  }
0x1: {  	(tag) =	ssettag $0x0;
	lr =	simm.s32 $0x1  }
0x2: {  	[smem:$0x3F9E] =	sst lr;
	_ =	strace $0xD0000000  }
0x3: {  	_ = 	snop  }
0x4: {  	_ = 	snop  }
0x5: {  	_ = 	snop  }
0x6: {  	_ = 	snop  }
0x7: {  	_ = 	snop  }
__scs_overlays_trampoline_lowered:
0x8: {  	[smem:$0x3FAD] =	sst s0  }
0x9: {  	[smem:$0x3FAE] =	sst s1  }
0xa: {  	[smem:$0x3FAF] =	sst s2  }
0xb: {  	[smem:$0x3FB0] =	sst s3  }
0xc: {  	[smem:$0x3FB1] =	sst s4  }
0xd: {  	[smem:$0x3FB2] =	sst s5  }
0xe: {  	[smem:$0x3FB3] =	sst s6  }
0xf: {  	[smem:$0x3FB4] =	sst s7  }
0x10: {  	[smem:$0x3FB5] =	sst s8  }
0x11: {  	[smem:$0x3FB6] =	sst s9;
	s0 =	simm.s32 @!p0 $0x0  }
0x12: {  	s1 =	sld [smem:$0x3F9C];
	s0 =	simm.s32 @p0 $0x1  }
0x13: {  	[smem:$0x3FB7] =	sst s0;
	s0 =	simm.s32 @!p1 $0x0  }
0x14: {  	s2 =	sld [smem:$0x3F9B];
	s0 =	simm.s32 @p1 $0x1  }
0x15: {  	[smem:$0x3FB8] =	sst s0;
	s0 =	simm.s32 @!p2 $0x0  }
0x16: {  	s3 =	sld [smem:$0x3FDB];
	s0 =	simm.s32 @p2 $0x1  }
0x17: {  	s4 =	simm.s32 $0x1BF5;
	[smem:$0x3FBA] =	sst s0  }
0x18: {  	s0 =	sld [smem:$0x3F9D];
	_ =	swait.ge [sflag:s4], $0x0  }
0x19: {  	s7 =	sld [smem:$0x3F9E]  }
0x1a: {  	s8 =	sadd.s32 $0xFFFFE003, lr  }
0x1b: {  	s9 =	sadd.s32 $0xFFFFFEF7, lr;
	s5 =	simm.s32 $0xFFFFFFFF;
	p2 =	slt.u32 s8, $0xFFFFF086  }
0x1c: {  	p1 =	slt.u32 s9, $0xF7A;
	s5 =	simm.s32 @!p2 $0x0  }
0x1d: {  	s5 =	simm.s32 @p1 $0x1;
	p0 =	seq.s32 s7, s2  }
0x1e: {  	s7 =	smul.u32 @!p0 $0xF7A, s2;
	p2 =	seq.s32 @!p0 s5, $0x0  }
0x1f: {  	s9 =	smul.u32 $0xF7A, s1;
	s8 =	simm.s32 @!p0 $0x1BF5;
	p2 =	por !p2, p0  }
0x20: {  	[sflag:s8] =	ssyncset.s32 @!p0 $0xFFFFF086;
	s6 =	sadd.s32 @!p0 s3, s7;
	s7 =	simm.s32 @!p0 $0x108  }
0x21: {  	s3 =	sadd.s32 s3, s9;
	s6 =	sadd.s32 @!p0 $0x88, s6;
	s7 =	simm.s32 @p2 $0x1082  }
0x22: {  	[simem:s7], [sflag:s8] =	dma.local @!p0 [hbm:s6], $0xF7A  }
0x23: {  	s9 =	sor.u32 $0xD0000000, s2;
	s6 =	simm.s32 $0x108;
	_ =	swait.ge @!p0 [sflag:s8], $0x0  }
0x24: {  	s3 =	sadd.s32 $0x88, s3;
	s6 =	simm.s32 @!p1 $0x1082;
	[sflag:s4] =	ssyncset.s32 $0xFFFFF086  }
0x25: {  	[simem:s6], [sflag:s4] =	dma.local [hbm:s3], $0xF7A  }
0x26: {  	[smem:$0x3F9E] =	sst s1;
	(tag) =	ssettag s2;
	_ =	strace s9  }
0x27: {  	s1 =	sld [smem:$0x3FAE]  }
0x28: {  	s2 =	sld [smem:$0x3FAF]  }
0x29: {  	s4 =	sld [smem:$0x3FB1]  }
0x2a: {  	p0 =	seq.s32 s5, $0x0;
	s5 =	sld [smem:$0x3FB2]  }
0x2b: {  	s6 =	sld [smem:$0x3FB3]  }
0x2c: {  	s7 =	sld [smem:$0x3FB4]  }
0x2d: {  	s3 =	simm.s32 $0x108;
	s8 =	sld [smem:$0x3FB5]  }
0x2e: {  	s3 =	simm.s32 @!p0 $0x1082;
	s9 =	sld [smem:$0x3FB6]  }
0x2f: {  	lr =	sadd.s32 s0, s3;
	s0 =	sld [smem:$0x3FAD]  }
0x30: {  	s3 =	sld [smem:$0x3FB0]  }
0x31: {  	[smem:$0x3FB9] =	sst s10  }
0x32: {  	s10 =	sld [smem:$0x3FB7];
	_ =	sdelay $0x3  }
0x33: {  	p0 =	seq.s32 s10, $0x1;
	s10 =	sld [smem:$0x3FB9];
	_ =	sdelay $0x3  }
0x34: {  	[smem:$0x3FB9] =	sst s10  }
0x35: {  	s10 =	sld [smem:$0x3FB8];
	_ =	sdelay $0x3  }
0x36: {  	p1 =	seq.s32 s10, $0x1;
	s10 =	sld [smem:$0x3FB9];
	_ =	sdelay $0x3  }
0x37: {  	[smem:$0x3FB9] =	sst s10  }
0x38: {  	s10 =	sld [smem:$0x3FBA]  }
0x39: {  	_ = 	snop;
	(pc) =	sbr.ind lr, $3  }
0x3a: {  	_ = 	snop  }
0x3b: {  	_ = 	snop  }
0x3c: {  	p2 =	seq.s32 s10, $0x1;
	s10 =	sld [smem:$0x3FB9]  }
0x3d: {  	_ =	shalt  }
0x3e: {  	_ =	shalt  }
0x3f: {  	_ =	shalt  }
0x40: {  	_ =	shalt  }
0x41: {  	_ =	shalt  }
0x42: {  	_ =	shalt  }
0x43: {  	_ =	shalt  }
0x44: {  	_ =	shalt  }
0x45: {  	_ =	shalt  }
0x46: {  	_ =	shalt  }
0x47: {  	_ =	shalt  }
0x48: {  	_ =	shalt  }
0x49: {  	_ =	shalt  }
0x4a: {  	_ =	shalt  }
0x4b: {  	_ =	shalt  }
0x4c: {  	_ =	shalt  }
0x4d: {  	_ =	shalt  }
0x4e: {  	_ =	shalt  }
0x4f: {  	_ =	shalt  }
0x50: {  	_ =	shalt  }
0x51: {  	_ =	shalt  }
0x52: {  	_ =	shalt  }
0x53: {  	_ =	shalt  }
0x54: {  	_ =	shalt  }
0x55: {  	_ =	shalt  }
0x56: {  	_ =	shalt  }
0x57: {  	_ =	shalt  }
0x58: {  	_ =	shalt  }
0x59: {  	_ =	shalt  }
0x5a: {  	_ =	shalt  }
0x5b: {  	_ =	shalt  }
0x5c: {  	_ =	shalt  }
0x5d: {  	_ =	shalt  }
0x5e: {  	_ =	shalt  }
0x5f: {  	_ =	shalt  }
0x60: {  	_ =	shalt  }
0x61: {  	_ =	shalt  }
0x62: {  	_ =	shalt  }
0x63: {  	_ =	shalt  }
0x64: {  	_ =	shalt  }
0x65: {  	_ =	shalt  }
0x66: {  	_ =	shalt  }
0x67: {  	_ =	shalt  }
0x68: {  	_ =	shalt  }
0x69: {  	_ =	shalt  }
0x6a: {  	_ =	shalt  }
0x6b: {  	_ =	shalt  }
0x6c: {  	_ =	shalt  }
0x6d: {  	_ =	shalt  }
0x6e: {  	_ =	shalt  }
0x6f: {  	_ =	shalt  }
0x70: {  	_ =	shalt  }
0x71: {  	_ =	shalt  }
0x72: {  	_ =	shalt  }
0x73: {  	_ =	shalt  }
0x74: {  	_ =	shalt  }
0x75: {  	_ =	shalt  }
0x76: {  	_ =	shalt  }
0x77: {  	_ =	shalt  }
0x78: {  	_ =	shalt  }
0x79: {  	_ =	shalt  }
0x7a: {  	_ =	shalt  }
0x7b: {  	_ =	shalt  }
0x7c: {  	_ =	shalt  }
0x7d: {  	_ =	shalt  }
0x7e: {  	_ =	shalt  }
0x7f: {  	_ =	shalt  }
0x80: {  	_ =	shalt  }
0x81: {  	_ =	shalt  }
0x82: {  	_ =	shalt  }
0x83: {  	_ =	shalt  }
0x84: {  	_ =	shalt  }
0x85: {  	_ =	shalt  }
0x86: {  	_ =	shalt  }
0x87: {  	_ =	shalt  }
.Lfunc_end0:
.L_simem_size_0:
called_computation_lowered:
.L_overlay_start_0:
0x88: {  	s2 =	sld [smem:$0x3FD9]  }
0x89: {  	s3 =	sld [smem:$0x3FFE];
	_ =	sdelay $0x1  }
0x8a: {  	s1 =	srdreg.scid  }
0x8b: {  	s0 =	sand.u32 $0x1, s1  }
0x8c: {  	s17 =	sshll.u32 s0, $0xA;
	s2 =	sadd.s32 s3, s2  }
0x8d: {  	s2 =	sadd.s32 s2, s17  }
0x8e: {  	[smem:$0x3FC5] =	sst s2  }
0x8f: {  	_ = 	snop  }
0x90: {  	s2 =	sld [smem:$0x3FC8]  }
0x91: {  	s18 =	sld [smem:$0x3FC7];
	(tm) =	ssettm $0x1  }
0x92: {  	s4 =	sld [smem:$0x3FFB];
	_ =	sdelay $0x3  }
0x93: {  	_ =	strace s4  }
0x94: {  	s4 =	sld [smem:$0x3FFC];
	_ =	sdelay $0x3  }
0x95: {  	_ =	strace s4  }
0x96: {  	s4 =	sld [smem:$0x3FFD];
	_ =	sdelay $0x3  }
0x97: {  	_ =	strace s4  }
0x98: {  	_ =	strace $0x8FFFFFFF  }
0x99: {  	s19 =	sld [smem:$0x3FDB];
	_ =	sdelay $0x1  }
0x9a: {  	s5 =	simm.s32 $_scs_section_size  }
0x9b: {  	s6 =	simm.s32 $_size__tile_overlayer_lowered;
	s7 =	simm.s32 $_tile_overlayer_lowered  }
0x9c: {  	s22 =	simm.s32 $0x1BFF;
	s21 =	sshll.u32 s7, $0x1;
	s4 =	sadd.s32 s5, s19  }
0x9d: {  	s8 =	simm.s32 $0x0;
	s20 =	sshll.u32 s6, $0x1;
	s6 =	sadd.s32 s21, s4  }
0x9e: {  	[timem:s8], [sflag:s22] =	dma.local [hbm:s6], s20  }
0x9f: {  	_ =	swait.ge [sflag:s22], s20  }
0xa0: {  	s5 =	ssub.s32 $0x0, s20;
	[sflag:s22] =	ssyncset.done $0x0  }
0xa1: {  	[sflag:s22] =	ssyncadd.s32 s5;
	_ =	sdelay $0x1  }
0xa2: {  	s23 =	simm.s32 $0x1B8B  }
0xa3: {  	_ =	swait.ge [sflag:s23], $0x1  }
0xa4: {  	[sflag:s23] =	ssyncset.done $0x0  }
0xa5: {  	s25 =	simm.s32 $0x1B8E;
	s24 =	sld [smem:$0x3FFE];
	[sflag:s23] =	ssyncadd.s32 $0xFFFFFFFF  }
0xa6: {  	s26 =	simm.s32 $execute0_lowered;
	[smem:$0x3FD2] =	sst s25  }
0xa7: {  	s6 =	sshll.u32 s26, $0x1;
	_ =	strace $0x80000046;
	[dreg:$0x1] =	wrdreg $0xFFFFFFFF  }
0xa8: {  	s28 =	simm.s32 $_size_execute0_lowered;
	s4 =	sadd.s32 s4, s6;
	[dreg:$0x0] =	wrdreg $0x0  }
0xa9: {  	s6 =	sshll.u32 s28, $0x1;
	[dreg:$0x2] =	wrdreg s4  }
0xaa: {  	[dreg:$0x3] =	wrdreg s6  }
0xab: {  	[dreg:$0x4] =	wrdreg $0xC0  }
0xac: {  	_ =	task [dreg:s8], $0x5FFFF  }
0xad: {  	[dreg:$0x1] =	wrdreg $0xFFFFFFFF  }
0xae: {  	[dreg:$0x0] =	wrdreg $0x60  }
0xaf: {  	[dreg:$0x2] =	wrdreg s2  }
0xb0: {  	[dreg:$0x3] =	wrdreg s18  }
0xb1: {  	[dreg:$0x4] =	wrdreg s24  }
0xb2: {  	[dreg:$0x5] =	wrdreg $0x9  }
0xb3: {  	_ =	task.clear_ibuf [dreg:s8], $0x6FFFF;
	_ =	strace $0x90000046  }
0xb4: {  	s29 =	simm.s32 $0x9;
	_ =	strace $0x80000048  }
0xb5: {  	_ =	swait.ge [sflag:s29], $0x1  }
0xb6: {  	[sflag:s29] =	ssyncadd.s32 $0xFFFFFFFF  }
0xb7: {  	_ =	strace $0x90000048  }
0xb8: {  	_ =	sfence  }
0xb9: {  	s30 =	sld [smem:$0x0];
	_ =	sdelay $0x2  }
0xba: {  	s31 =	sshll.u32 s1, $0xD;
	s1 =	sshrl.u32 s1, $0x2  }
0xbb: {  	s3 =	sand.u32 $0x4000, s31;
	s1 =	sadd.s32 s1, s30  }
0xbc: {  	s0 =	sor.u32 s3, s0;
	s1 =	sshll.u32 s1, $0x11  }
0xbd: {  	s0 =	sor.u32 s1, s0  }
0xbe: {  	s0 =	sadd.s32 $0x8F2B, s0  }
0xbf: {  	[sflag:s0] =	ssyncadd.remote.s32 $0x1  }
0xc0: {  	_ =	sfence.sel $0xFFFF  }
0xc1: {  	[dreg:$0x0] =	wrdreg $0xFFFFFFFF;
	(pc) =	sbr.abs _section_cstart, $3  }
0xc2: {  	[dreg:$0x1] =	wrdreg $0xFFFFFFFF  }
0xc3: {  	_ =	task.clear_ibuf [dreg:s8], $0x2FFFF;
	_ =	strace $0x9FFFFFFF  }
0xc4: {  	(tm) =	ssettm $0x7FFFFFFF  }
0xc5: {  	_ =	shalt  }
tec
execute0_lowered:
.L_overlay_start_1:
0x0: {  	(tag) =	ssettag $0x1  }
0x1: {  	s2 =	rddreg [dreg:$0x0]  }
0x2: {  	s4 =	rddreg [dreg:$0x1]  }
0x3: {  	s1 =	srdreg.scid;
	s0 =	stileid.u32  }
0x4: {  	s14 =	rddreg [dreg:$0x2];
	s15 =	sand.u32 $0x1, s1;
	s5 =	sshll.u32 s0, $0x1  }
0x5: {  	s3 =	simm.s32 $0x0;
	s1 =	rddreg [dreg:$0x3];
	s16 =	sor.u32 s15, s5  }
0x6: {  	[smem:$0x7FF] =	sst s3;
	s5 =	sshll.u32 s16, $0x6  }
0x7: {  	_ =	strace $0x80000047;
	s5 =	sadd.s32 s4, s5;
	s4 =	simm.s32 $0x2  }
0x8: {  	[tilespmem:s3], [sflag:$0x2] =	stream.linear.gather [hbm4b:s5+s3], $0x200, $0x38;
	[tilespmem:$0x480] =	vst v63  }
0x9: {  	_ =	swait.ge [sflag:s4], $0x200  }
0xa: {  	s6 =	simm.s32 $0x80;
	[sflag:s4] =	ssyncset.done $0x0  }
0xb: {  	s7 =	simm.s32 $0x200;
	s8 =	simm.s32 $0x1;
	[sflag:s4] =	ssyncadd.s32 $0xFFFFFE00  }
0xc: {  	[tilespmem:s7], [sflag:$0x1] =	stream.indirect.gather [hbm4b:s2+s6], $0x1, s3, s6, $0xb8;
	[tilespmem:$0x480] =	vst v63  }
0xd: {  	_ =	swait.ge [sflag:s8], $0x80  }
0xe: {  	[sflag:s8] =	ssyncset.done $0x0  }
0xf: {  	s9 =	simm.s32 $0x280;
	[sflag:s8] =	ssyncadd.s32 $0xFFFFFF80  }
0x10: {  	[tilespmem:s9], [sflag:$0x1] =	stream.indirect.gather [hbm4b:s2+s6], $0x1, s6, s6, $0xb8;
	[tilespmem:$0x480] =	vst v63  }
0x11: {  	_ =	swait.ge [sflag:s8], $0x80  }
0x12: {  	[sflag:s8] =	ssyncset.done $0x0  }
0x13: {  	s10 =	simm.s32 $0x100;
	s11 =	simm.s32 $0x300;
	[sflag:s8] =	ssyncadd.s32 $0xFFFFFF80  }
0x14: {  	[tilespmem:s11], [sflag:$0x1] =	stream.indirect.gather [hbm4b:s2+s6], $0x1, s10, s6, $0xb8;
	[tilespmem:$0x480] =	vst v63  }
0x15: {  	_ =	swait.ge [sflag:s8], $0x80  }
0x16: {  	[sflag:s8] =	ssyncset.done $0x0  }
0x17: {  	s12 =	simm.s32 $0x180;
	s13 =	simm.s32 $0x380;
	[sflag:s8] =	ssyncadd.s32 $0xFFFFFF80  }
0x18: {  	[tilespmem:s13], [sflag:$0x1] =	stream.indirect.gather [hbm4b:s2+s6], $0x1, s12, s6, $0xb8;
	[tilespmem:$0x480] =	vst v63  }
0x19: {  	_ =	swait.ge [sflag:s8], $0x80  }
0x1a: {  	[sflag:s8] =	ssyncset.done $0x0  }
0x1b: {  	[sflag:s8] =	ssyncadd.s32 $0xFFFFFF80  }
0x1c: {  	v0 =	vld [tilespmem:$0x200];
	_ =	sdelay $0x1  }
0x1d: {  	v1 =	vld [tilespmem:$0x210];
	_ =	sdelay $0x1  }
0x1e: {  	v2 =	vld [tilespmem:$0x220]  }
0x1f: {  	v0 =	vadd.f32 $0.0e+00, v0  }
0x20: {  	v3 =	vld [tilespmem:$0x230]  }
0x21: {  	v0 =	vadd.f32 v1, v0  }
0x22: {  	v36 =	vld [tilespmem:$0x240]  }
0x23: {  	v0 =	vadd.f32 v2, v0  }
0x24: {  	v37 =	vld [tilespmem:$0x250]  }
0x25: {  	v0 =	vadd.f32 v3, v0  }
0x26: {  	v38 =	vld [tilespmem:$0x260]  }
0x27: {  	v0 =	vadd.f32 v36, v0  }
0x28: {  	v39 =	vld [tilespmem:$0x270]  }
0x29: {  	v0 =	vadd.f32 v37, v0  }
0x2a: {  	v40 =	vld [tilespmem:$0x280]  }
0x2b: {  	v0 =	vadd.f32 v38, v0  }
0x2c: {  	v41 =	vld [tilespmem:$0x290]  }
0x2d: {  	v0 =	vadd.f32 v39, v0  }
0x2e: {  	v42 =	vld [tilespmem:$0x2A0]  }
0x2f: {  	v0 =	vadd.f32 v40, v0  }
0x30: {  	v43 =	vld [tilespmem:$0x2B0]  }
0x31: {  	v0 =	vadd.f32 v41, v0  }
0x32: {  	v44 =	vld [tilespmem:$0x2C0]  }
0x33: {  	v0 =	vadd.f32 v42, v0  }
0x34: {  	v45 =	vld [tilespmem:$0x2D0]  }
0x35: {  	v0 =	vadd.f32 v43, v0  }
0x36: {  	v46 =	vld [tilespmem:$0x2E0]  }
0x37: {  	v0 =	vadd.f32 v44, v0  }
0x38: {  	v47 =	vld [tilespmem:$0x2F0]  }
0x39: {  	v0 =	vadd.f32 v45, v0  }
0x3a: {  	v48 =	vld [tilespmem:$0x300]  }
0x3b: {  	v0 =	vadd.f32 v46, v0  }
0x3c: {  	v49 =	vld [tilespmem:$0x310]  }
0x3d: {  	v0 =	vadd.f32 v47, v0  }
0x3e: {  	v50 =	vld [tilespmem:$0x320]  }
0x3f: {  	v0 =	vadd.f32 v48, v0  }
0x40: {  	v51 =	vld [tilespmem:$0x330]  }
0x41: {  	v0 =	vadd.f32 v49, v0  }
0x42: {  	v52 =	vld [tilespmem:$0x340]  }
0x43: {  	v0 =	vadd.f32 v50, v0  }
0x44: {  	v53 =	vld [tilespmem:$0x350]  }
0x45: {  	v0 =	vadd.f32 v51, v0  }
0x46: {  	v54 =	vld [tilespmem:$0x360]  }
0x47: {  	v0 =	vadd.f32 v52, v0  }
0x48: {  	v55 =	vld [tilespmem:$0x370]  }
0x49: {  	v0 =	vadd.f32 v53, v0  }
0x4a: {  	v56 =	vld [tilespmem:$0x380]  }
0x4b: {  	v0 =	vadd.f32 v54, v0  }
0x4c: {  	v57 =	vld [tilespmem:$0x390]  }
0x4d: {  	v0 =	vadd.f32 v55, v0  }
0x4e: {  	v58 =	vld [tilespmem:$0x3A0]  }
0x4f: {  	v0 =	vadd.f32 v56, v0  }
0x50: {  	v59 =	vld [tilespmem:$0x3B0]  }
0x51: {  	v0 =	vadd.f32 v57, v0  }
0x52: {  	v60 =	vld [tilespmem:$0x3C0]  }
0x53: {  	v0 =	vadd.f32 v58, v0  }
0x54: {  	v61 =	vld [tilespmem:$0x3D0]  }
0x55: {  	v0 =	vadd.f32 v59, v0  }
0x56: {  	v62 =	vld [tilespmem:$0x3E0]  }
0x57: {  	v0 =	vadd.f32 v60, v0  }
0x58: {  	v63 =	vld [tilespmem:$0x3F0]  }
0x59: {  	v0 =	vadd.f32 v61, v0;
	_ =	sdelay $0x1  }
0x5a: {  	s15 =	ssub.s32 $0x2, s15;
	v0 =	vadd.f32 v62, v0  }
0x5b: {  	s17 =	sshrl.u32 s15, $0x1  }
0x5c: {  	s15 =	ssub.s32 s15, s17;
	v0 =	vadd.f32 v63, v0  }
0x5d: {  	s31 =	smax.u32 s15, $0x1  }
0x5e: {  	s16 =	sshll.u32 s16, $0x4;
	p0 =	sne.s32 s31, $0x1;
	v0 =	vmul.f32 $3.000000000e+01, v0  }
.Ltmp0:
0x5f: {  	s14 =	sadd.s32 s16, s14;
	(pc) =	sbr.rel @!p0 .LBB2_2-.Ltmp0, $4  }
0x60: {  	s14 =	sadd.s32 $0x400, s14;
	s15 =	simm.s32 $0x400;
	[tilespmem:$0x400] =	vst v0  }
0x61: {  	[hbm4b:s14+s3] =	stream.linear.scatter [tilespmem:s15], [sflag:$0x2], $0x80, $0x38;
	[tilespmem:$0x480] =	vst v63  }
0x62: {  	_ =	swait.ge [sflag:s4], $0x80  }
0x63: {  	s16 =	sadd.s32 $0xFFFFFFFF, s31;
	[sflag:s4] =	ssyncset.done $0x0  }
.LBB2_1:
0x64: {  	p0 =	sne.s32 s16, $0x1;
	s16 =	sadd.s32 $0xFFFFFFFF, s16;
	[sflag:s4] =	ssyncadd.s32 $0xFFFFFF80  }
0x65: {  	[tilespmem:s3], [sflag:$0x2] =	stream.linear.gather [hbm4b:s5+s3], $0x200, $0x38;
	[tilespmem:$0x480] =	vst v63  }
0x66: {  	_ =	swait.ge [sflag:s4], $0x200  }
0x67: {  	[sflag:s4] =	ssyncset.done $0x0  }
0x68: {  	[sflag:s4] =	ssyncadd.s32 $0xFFFFFE00  }
0x69: {  	[tilespmem:s7], [sflag:$0x1] =	stream.indirect.gather [hbm4b:s2+s6], $0x1, s3, s6, $0xb8;
	[tilespmem:$0x480] =	vst v63  }
0x6a: {  	_ =	swait.ge [sflag:s8], $0x80  }
0x6b: {  	[sflag:s8] =	ssyncset.done $0x0  }
0x6c: {  	[sflag:s8] =	ssyncadd.s32 $0xFFFFFF80  }
0x6d: {  	[tilespmem:s9], [sflag:$0x1] =	stream.indirect.gather [hbm4b:s2+s6], $0x1, s6, s6, $0xb8;
	[tilespmem:$0x480] =	vst v63  }
0x6e: {  	_ =	swait.ge [sflag:s8], $0x80  }
0x6f: {  	[sflag:s8] =	ssyncset.done $0x0  }
0x70: {  	[sflag:s8] =	ssyncadd.s32 $0xFFFFFF80  }
0x71: {  	[tilespmem:s11], [sflag:$0x1] =	stream.indirect.gather [hbm4b:s2+s6], $0x1, s10, s6, $0xb8;
	[tilespmem:$0x480] =	vst v63  }
0x72: {  	_ =	swait.ge [sflag:s8], $0x80  }
0x73: {  	[sflag:s8] =	ssyncset.done $0x0  }
0x74: {  	[sflag:s8] =	ssyncadd.s32 $0xFFFFFF80  }
0x75: {  	[tilespmem:s13], [sflag:$0x1] =	stream.indirect.gather [hbm4b:s2+s6], $0x1, s12, s6, $0xb8;
	[tilespmem:$0x480] =	vst v63  }
0x76: {  	_ =	swait.ge [sflag:s8], $0x80  }
0x77: {  	[sflag:s8] =	ssyncset.done $0x0  }
0x78: {  	[sflag:s8] =	ssyncadd.s32 $0xFFFFFF80  }
0x79: {  	v0 =	vld [tilespmem:$0x200];
	_ =	sdelay $0x1  }
0x7a: {  	v1 =	vld [tilespmem:$0x210];
	_ =	sdelay $0x1  }
0x7b: {  	v2 =	vld [tilespmem:$0x220]  }
0x7c: {  	v0 =	vadd.f32 $0.0e+00, v0  }
0x7d: {  	v3 =	vld [tilespmem:$0x230]  }
0x7e: {  	v0 =	vadd.f32 v1, v0  }
0x7f: {  	v1 =	vld [tilespmem:$0x240]  }
0x80: {  	v0 =	vadd.f32 v2, v0  }
0x81: {  	v2 =	vld [tilespmem:$0x250]  }
0x82: {  	v0 =	vadd.f32 v3, v0  }
0x83: {  	v3 =	vld [tilespmem:$0x260]  }
0x84: {  	v0 =	vadd.f32 v1, v0  }
0x85: {  	v1 =	vld [tilespmem:$0x270]  }
0x86: {  	v0 =	vadd.f32 v2, v0  }
0x87: {  	v2 =	vld [tilespmem:$0x280]  }
0x88: {  	v0 =	vadd.f32 v3, v0  }
0x89: {  	v3 =	vld [tilespmem:$0x290]  }
0x8a: {  	v0 =	vadd.f32 v1, v0  }
0x8b: {  	v1 =	vld [tilespmem:$0x2A0]  }
0x8c: {  	v0 =	vadd.f32 v2, v0  }
0x8d: {  	v2 =	vld [tilespmem:$0x2B0]  }
0x8e: {  	v0 =	vadd.f32 v3, v0  }
0x8f: {  	v3 =	vld [tilespmem:$0x2C0]  }
0x90: {  	v0 =	vadd.f32 v1, v0  }
0x91: {  	v1 =	vld [tilespmem:$0x2D0]  }
0x92: {  	v0 =	vadd.f32 v2, v0  }
0x93: {  	v2 =	vld [tilespmem:$0x2E0]  }
0x94: {  	v0 =	vadd.f32 v3, v0  }
0x95: {  	v3 =	vld [tilespmem:$0x2F0]  }
0x96: {  	v0 =	vadd.f32 v1, v0  }
0x97: {  	v1 =	vld [tilespmem:$0x300]  }
0x98: {  	v0 =	vadd.f32 v2, v0  }
0x99: {  	v2 =	vld [tilespmem:$0x310]  }
0x9a: {  	v0 =	vadd.f32 v3, v0  }
0x9b: {  	v3 =	vld [tilespmem:$0x320]  }
0x9c: {  	v0 =	vadd.f32 v1, v0  }
0x9d: {  	v1 =	vld [tilespmem:$0x330]  }
0x9e: {  	v0 =	vadd.f32 v2, v0  }
0x9f: {  	v2 =	vld [tilespmem:$0x340]  }
0xa0: {  	v0 =	vadd.f32 v3, v0  }
0xa1: {  	v3 =	vld [tilespmem:$0x350]  }
0xa2: {  	v0 =	vadd.f32 v1, v0  }
0xa3: {  	v1 =	vld [tilespmem:$0x360]  }
0xa4: {  	v0 =	vadd.f32 v2, v0  }
0xa5: {  	v2 =	vld [tilespmem:$0x370]  }
0xa6: {  	v0 =	vadd.f32 v3, v0  }
0xa7: {  	v3 =	vld [tilespmem:$0x380]  }
0xa8: {  	v0 =	vadd.f32 v1, v0  }
0xa9: {  	v1 =	vld [tilespmem:$0x390]  }
0xaa: {  	v0 =	vadd.f32 v2, v0  }
0xab: {  	v2 =	vld [tilespmem:$0x3A0]  }
0xac: {  	v0 =	vadd.f32 v3, v0  }
0xad: {  	v3 =	vld [tilespmem:$0x3B0]  }
0xae: {  	v0 =	vadd.f32 v1, v0  }
0xaf: {  	v1 =	vld [tilespmem:$0x3C0]  }
0xb0: {  	v0 =	vadd.f32 v2, v0  }
0xb1: {  	v2 =	vld [tilespmem:$0x3D0]  }
0xb2: {  	v0 =	vadd.f32 v3, v0  }
0xb3: {  	v3 =	vld [tilespmem:$0x3E0]  }
0xb4: {  	v0 =	vadd.f32 v1, v0  }
0xb5: {  	v1 =	vld [tilespmem:$0x3F0]  }
0xb6: {  	v0 =	vadd.f32 v2, v0;
	_ =	sdelay $0x1  }
0xb7: {  	v0 =	vadd.f32 v3, v0;
	_ =	sdelay $0x1  }
0xb8: {  	v0 =	vadd.f32 v1, v0;
	_ =	sdelay $0x1  }
0xb9: {  	v0 =	vmul.f32 $3.000000000e+01, v0  }
.Ltmp1:
0xba: {  	(pc) =	sbr.rel @p0 .LBB2_1-.Ltmp1, $4  }
0xbb: {  	[tilespmem:$0x400] =	vst v0  }
0xbc: {  	[hbm4b:s14+s3] =	stream.linear.scatter [tilespmem:s15], [sflag:$0x2], $0x80, $0x38;
	[tilespmem:$0x480] =	vst v63  }
0xbd: {  	_ =	swait.ge [sflag:s4], $0x80  }
0xbe: {  	[sflag:s4] =	ssyncset.done $0x0  }
.LBB2_2:
0xbf: {  	[sflag:s4] =	ssyncadd.s32 $0xFFFFFF80  }
0xc0: {  	_ =	sfence.sel $0x180000  }
0xc1: {  	[bflag:$0x0] =	sbarrier.arrive $0xFFFF  }
0xc2: {  	p0 =	sne.s32 s0, $0x0;
	_ =	strace $0x90000047  }
0xc3: {  	s0 =	sadd.s32 @!p0 $0x100000, s1;
	[bflag:$0x2] =	sbarrier.arrive $0xFFFF  }
0xc4: {  	[sflag:s0] =	ssyncadd.tile.s32 @!p0 $0x1;
	_ =	shalt  }
.Lfunc_end2:
_tile_overlayer_lowered:
.L_overlay_start_2:
0xc5: {  	(tag) =	ssettag $0x2  }
0xc6: {  	s0 =	rddreg [dreg:$0x0];
	s2 =	stileid.u32  }
0xc7: {  	s1 =	rddreg [dreg:$0x1];
	p0 =	sne.s32 s2, $0x0  }
0xc8: {  	s3 =	rddreg [dreg:$0x2];
	[bflag:$0x3] =	sbarrier.arrive $0xFFFF;
	s2 =	simm.s32 @!p0 $0x1C02  }
0xc9: {  	[timem:s3], [sflag:s2] =	dma.local @!p0 [hbm:s0], s1  }
0xca: {  	s0 =	simm.s32 @!p0 $0x2  }
0xcb: {  	_ =	swait.ge @!p0 [sflag:s0], s1  }
0xcc: {  	s1 =	ssub.s32 @!p0 $0x0, s1;
	[sflag:s0] =	ssyncset.done @!p0 $0x0  }
0xcd: {  	[sflag:s0] =	ssyncadd.s32 @!p0 s1  }
0xce: {  	[bflag:$0x3] =	sbarrier.arrive $0xFFFF  }
0xcf: {  	_ =	shalt  }

</sc_bundles>
